<compile_context>
chip_gen: v7x
topology: tpu7x:2x2x1
jax: 0.10.2.dev20260603
libtpu: 0.0.44.dev20260713+nightly
codegen_flags: <defaults>
</compile_context>

<pallas_src>
import dataclasses
import functools

import jax
import jax.numpy as jnp
from jax import lax
from jax.experimental import pallas as pl
from jax.experimental.pallas import tpu as pltpu
from jax.experimental.pallas import tpu_sc as plsc

F = 26
V = 100000
D = 32
B = 16384
L = 16
NC = 2
NW = 32
PER_W = F * D // NW
Q = 4096
NQ = B // Q
VH = 50048

_mesh = plsc.VectorSubcoreMesh(core_axis_name="c", subcore_axis_name="s")

_cp = pltpu.CompilerParams(use_tc_tiling_on_sc=True)
if "needs_layout_passes" in pltpu.CompilerParams.__dataclass_fields__:
    _cp = dataclasses.replace(_cp, needs_layout_passes=False)


@functools.partial(
    pl.kernel,
    mesh=_mesh,
    out_type=jax.ShapeDtypeStruct((F * D, B), jnp.float32),
    scratch_types=[
        pltpu.VMEM((1, B), jnp.int32),
        pltpu.VMEM((1, V), jnp.float32),
        pltpu.VMEM((1, Q), jnp.float32),
        pltpu.VMEM((1, Q), jnp.float32),
        pltpu.SemaphoreType.DMA,
        pltpu.SemaphoreType.DMA,
        pltpu.SemaphoreType.DMA,
        pltpu.SemaphoreType.DMA,
    ],
    compiler_params=_cp,
)
def _field_gather(xt_hbm, t2_hbm, out_hbm, idx_v, vec_v, out_a, out_b,
                  vsem_a, vsem_b, wsem_a, wsem_b):
    wid = lax.axis_index("s") * NC + lax.axis_index("c")
    fd0 = wid * PER_W

    @pl.loop(0, PER_W)
    def _(k):
        fd = fd0 + k
        f = lax.shift_right_logical(fd, 5)
        VQ = 25088
        for (s0, sl, sem) in ((0, VQ, vsem_a), (VQ, VQ, vsem_b),
                              (2 * VQ, VQ, vsem_a), (3 * VQ, V - 3 * VQ,
                                                     vsem_b)):
            pltpu.async_copy(t2_hbm.at[pl.ds(fd, 1), pl.ds(s0, sl)],
                             vec_v.at[:, pl.ds(s0, sl)], sem)

        @pl.when((k == 0) | (lax.bitwise_and(fd, D - 1) == 0))
        def _():
            pltpu.sync_copy(xt_hbm.at[pl.ds(f, 1), :], idx_v)

        for (s0, sl, sem) in ((0, VQ, vsem_a), (VQ, VQ, vsem_b),
                              (2 * VQ, VQ, vsem_a), (3 * VQ, V - 3 * VQ,
                                                     vsem_b)):
            pltpu.make_async_copy(t2_hbm.at[pl.ds(0, 1), pl.ds(s0, sl)],
                                  vec_v.at[:, pl.ds(s0, sl)], sem).wait()

        for q in range(NQ):
            out_v, wsem = (out_a, wsem_a) if q % 2 == 0 else (out_b, wsem_b)
            if q < 2:
                @pl.when(k > 0)
                def _():
                    pltpu.make_async_copy(
                        out_v, out_hbm.at[pl.ds(0, 1), pl.ds(0, Q)],
                        wsem).wait()
            else:
                pltpu.make_async_copy(
                    out_v, out_hbm.at[pl.ds(0, 1), pl.ds(0, Q)],
                    wsem).wait()

            @plsc.parallel_loop(0, Q, step=L, unroll=8)
            def _(j):
                iv = idx_v[0, pl.ds(q * Q + j, L)]
                out_v[0, pl.ds(j, L)] = plsc.load_gather(vec_v.at[0], [iv])

            pltpu.async_copy(
                out_v, out_hbm.at[pl.ds(fd, 1), pl.ds(q * Q, Q)], wsem)

    pltpu.make_async_copy(out_a, out_hbm.at[pl.ds(0, 1), pl.ds(0, Q)],
                          wsem_a).wait()
    pltpu.make_async_copy(out_b, out_hbm.at[pl.ds(0, 1), pl.ds(0, Q)],
                          wsem_b).wait()


def kernel(X, tables):
    xt = X.T
    tt = jnp.transpose(tables, (0, 2, 1))
    t2 = tt.reshape(F * D, V)
    out_t = _field_gather(xt, t2)
    return out_t.T

# --- scband reference (transcript-rebuilt; emitter-appended) ---
"""Pipeline reference for scband-state-tracker-base-32968168964275 (READ-ONLY COPY).

The authoritative reference and input builder live on the scoring server;
editing this copy changes nothing except your own understanding.
"""

import jax, jax.numpy as jnp
import numpy as np

N_FIELDS = 26
VOCAB = 100000
DIM = 32
BATCH = 16384
INIT_STD = 0.0001


def setup_inputs(seed: int = 0) -> dict:
    key = jax.random.key(seed)
    k1, k2 = jax.random.split(key)
    # X holds per-field sparse feature ids (DeepCTR packs them as floats, cast to long inside).
    X = jax.random.randint(k1, (BATCH, N_FIELDS), 0, VOCAB, dtype=jnp.int32)
    # embedding_dict: one embedding table per sparse action column, init ~ N(0, init_std)
    tables = jax.random.normal(k2, (N_FIELDS, VOCAB, DIM), dtype=jnp.float32) * INIT_STD
    return {"X": X, "tables": tables}


def reference(X, tables):
    # input_from_feature_columns: per sparse feature, gather embedding_dict[feat](X[:, start:end].long())
    idx = X.astype(jnp.int32)  # [B, F]
    field_ids = jnp.arange(N_FIELDS, dtype=jnp.int32)[None, :]  # [1, F]
    sparse_embedding = tables[field_ids, idx]  # [B, F, D] gather per field
    # combined_dnn_input: flatten and concat sparse embeddings along last dim (no dense cols here)
    new_X = sparse_embedding.reshape(sparse_embedding.shape[0], -1)  # [B, F*D]
    return new_X

if __name__ == "__main__":
    import jax
    _d = setup_inputs()
    print(jax.jit(kernel)(*tuple(_d.values())))

</pallas_src>

<mosaic_0001>
#map = affine_map<(d0, d1) -> (0, 0)>
module attributes {stable_mosaic.version = 14 : i64} {
  func.func @_field_gather(%arg0: i32, %arg1: i32, %arg2: memref<26x16384xi32, #tpu.memory_space<hbm>>, %arg3: memref<832x100000xf32, #tpu.memory_space<hbm>>, %arg4: memref<832x16384xf32, #tpu.memory_space<hbm>>, %arg5: memref<1x16384xi32, #tpu.memory_space<vmem>>, %arg6: memref<1x100000xf32, #tpu.memory_space<vmem>>, %arg7: memref<1x4096xf32, #tpu.memory_space<vmem>>, %arg8: memref<1x4096xf32, #tpu.memory_space<vmem>>, %arg9: memref<!tpu.dma_semaphore, #tpu.memory_space<semaphore_mem>>, %arg10: memref<!tpu.dma_semaphore, #tpu.memory_space<semaphore_mem>>, %arg11: memref<!tpu.dma_semaphore, #tpu.memory_space<semaphore_mem>>, %arg12: memref<!tpu.dma_semaphore, #tpu.memory_space<semaphore_mem>>) attributes {dimension_semantics = [#tpu.dimension_semantics<core_parallel>, #tpu.dimension_semantics<subcore_parallel>], iteration_bounds = array<i64: 2, 16>, scalar_prefetch = 0 : i64, scratch_operands = 8 : i64, tpu.core_type = #tpu.core_type<sc_vector_subcore>, window_params = [{transform_indices = #map}, {transform_indices = #map}, {transform_indices = #map}]} {
    %mul3A = arith.constant 2 : i32
    %mul3A_0 = arith.muli %arg1, %mul3A : i32
    %add3A = arith.addi %mul3A_0, %arg0 : i32
    %mul3A_1 = arith.constant 26 : i32
    %mul3A_2 = arith.muli %add3A, %mul3A_1 : i32
    %scan3A = arith.constant 0 : i32
    %scan3A_3 = arith.constant 26 : i32
    %scan3A_4 = arith.addi %scan3A, %scan3A_3 : i32
    %scan3A_5 = arith.constant 1 : i32
    scf.for %scan3A_18 = %scan3A to %scan3A_4 step %scan3A_5  : i32 {
      %mul3A_19 = arith.constant 1 : i32
      %mul3A_20 = arith.muli %scan3A_18, %mul3A_19 : i32
      %add3A_21 = arith.constant 0 : i32
      %add3A_22 = arith.addi %add3A_21, %mul3A_20 : i32
      %add3A_23 = arith.addi %mul3A_2, %add3A_22 : i32
      %shift_right_logical3A = arith.constant 5 : i32
      %shift_right_logical3A_24 = arith.shrui %add3A_23, %shift_right_logical3A : i32
      %dma_start3A = arith.constant 0 : i32
      %dma_start3A_25 = arith.constant 0 : i32
      %dma_start3A_26 = tpu.memref_slice %arg6[%dma_start3A, %dma_start3A_25] : memref<1x100000xf32, #tpu.memory_space<vmem>> -> memref<1x25088xf32, #tpu.memory_space<vmem>>
      %dma_start3A_27 = arith.constant 0 : i32
      %dma_start3A_28 = tpu.memref_slice %arg3[%add3A_23, %dma_start3A_27] : memref<832x100000xf32, #tpu.memory_space<hbm>> -> memref<1x25088xf32, #tpu.memory_space<hbm>>
      %dma_start3A_29 = arith.constant 0 : i32
      %dma_start3A_30 = arith.constant 0 : i32
      %dma_start3A_31 = tpu.memref_slice %arg6[%dma_start3A_29, %dma_start3A_30] : memref<1x100000xf32, #tpu.memory_space<vmem>> -> memref<1x25088xf32, #tpu.memory_space<vmem>>
      %dma_start3A_32 = arith.constant 0 : i32
      %dma_start3A_33 = tpu.memref_slice %arg3[%add3A_23, %dma_start3A_32] : memref<832x100000xf32, #tpu.memory_space<hbm>> -> memref<1x25088xf32, #tpu.memory_space<hbm>>
      tpu.enqueue_dma source(%dma_start3A_33 : memref<1x25088xf32, #tpu.memory_space<hbm>>) target(%dma_start3A_31 : memref<1x25088xf32, #tpu.memory_space<vmem>>) target_semaphore(%arg9 : memref<!tpu.dma_semaphore, #tpu.memory_space<semaphore_mem>>)
      %dma_start3A_34 = arith.constant 0 : i32
      %dma_start3A_35 = arith.constant 25088 : i32
      %dma_start3A_36 = tpu.memref_slice %arg6[%dma_start3A_34, %dma_start3A_35] : memref<1x100000xf32, #tpu.memory_space<vmem>> -> memref<1x25088xf32, #tpu.memory_space<vmem>>
      %dma_start3A_37 = arith.constant 25088 : i32
      %dma_start3A_38 = tpu.memref_slice %arg3[%add3A_23, %dma_start3A_37] : memref<832x100000xf32, #tpu.memory_space<hbm>> -> memref<1x25088xf32, #tpu.memory_space<hbm>>
      %dma_start3A_39 = arith.constant 0 : i32
      %dma_start3A_40 = arith.constant 25088 : i32
      %dma_start3A_41 = tpu.memref_slice %arg6[%dma_start3A_39, %dma_start3A_40] : memref<1x100000xf32, #tpu.memory_space<vmem>> -> memref<1x25088xf32, #tpu.memory_space<vmem>>
      %dma_start3A_42 = arith.constant 25088 : i32
      %dma_start3A_43 = tpu.memref_slice %arg3[%add3A_23, %dma_start3A_42] : memref<832x100000xf32, #tpu.memory_space<hbm>> -> memref<1x25088xf32, #tpu.memory_space<hbm>>
      tpu.enqueue_dma source(%dma_start3A_43 : memref<1x25088xf32, #tpu.memory_space<hbm>>) target(%dma_start3A_41 : memref<1x25088xf32, #tpu.memory_space<vmem>>) target_semaphore(%arg10 : memref<!tpu.dma_semaphore, #tpu.memory_space<semaphore_mem>>)
      %dma_start3A_44 = arith.constant 0 : i32
      %dma_start3A_45 = arith.constant 50176 : i32
      %dma_start3A_46 = tpu.memref_slice %arg6[%dma_start3A_44, %dma_start3A_45] : memref<1x100000xf32, #tpu.memory_space<vmem>> -> memref<1x25088xf32, #tpu.memory_space<vmem>>
      %dma_start3A_47 = arith.constant 50176 : i32
      %dma_start3A_48 = tpu.memref_slice %arg3[%add3A_23, %dma_start3A_47] : memref<832x100000xf32, #tpu.memory_space<hbm>> -> memref<1x25088xf32, #tpu.memory_space<hbm>>
      %dma_start3A_49 = arith.constant 0 : i32
      %dma_start3A_50 = arith.constant 50176 : i32
      %dma_start3A_51 = tpu.memref_slice %arg6[%dma_start3A_49, %dma_start3A_50] : memref<1x100000xf32, #tpu.memory_space<vmem>> -> memref<1x25088xf32, #tpu.memory_space<vmem>>
      %dma_start3A_52 = arith.constant 50176 : i32
      %dma_start3A_53 = tpu.memref_slice %arg3[%add3A_23, %dma_start3A_52] : memref<832x100000xf32, #tpu.memory_space<hbm>> -> memref<1x25088xf32, #tpu.memory_space<hbm>>
      tpu.enqueue_dma source(%dma_start3A_53 : memref<1x25088xf32, #tpu.memory_space<hbm>>) target(%dma_start3A_51 : memref<1x25088xf32, #tpu.memory_space<vmem>>) target_semaphore(%arg9 : memref<!tpu.dma_semaphore, #tpu.memory_space<semaphore_mem>>)
      %dma_start3A_54 = arith.constant 0 : i32
      %dma_start3A_55 = arith.constant 75264 : i32
      %dma_start3A_56 = tpu.memref_slice %arg6[%dma_start3A_54, %dma_start3A_55] : memref<1x100000xf32, #tpu.memory_space<vmem>> -> memref<1x24736xf32, #tpu.memory_space<vmem>>
      %dma_start3A_57 = arith.constant 75264 : i32
      %dma_start3A_58 = tpu.memref_slice %arg3[%add3A_23, %dma_start3A_57] : memref<832x100000xf32, #tpu.memory_space<hbm>> -> memref<1x24736xf32, #tpu.memory_space<hbm>>
      %dma_start3A_59 = arith.constant 0 : i32
      %dma_start3A_60 = arith.constant 75264 : i32
      %dma_start3A_61 = tpu.memref_slice %arg6[%dma_start3A_59, %dma_start3A_60] : memref<1x100000xf32, #tpu.memory_space<vmem>> -> memref<1x24736xf32, #tpu.memory_space<vmem>>
      %dma_start3A_62 = arith.constant 75264 : i32
      %dma_start3A_63 = tpu.memref_slice %arg3[%add3A_23, %dma_start3A_62] : memref<832x100000xf32, #tpu.memory_space<hbm>> -> memref<1x24736xf32, #tpu.memory_space<hbm>>
      tpu.enqueue_dma source(%dma_start3A_63 : memref<1x24736xf32, #tpu.memory_space<hbm>>) target(%dma_start3A_61 : memref<1x24736xf32, #tpu.memory_space<vmem>>) target_semaphore(%arg10 : memref<!tpu.dma_semaphore, #tpu.memory_space<semaphore_mem>>)
      %eq3A = arith.constant 0 : i32
      %eq3A_64 = arith.cmpi eq, %add3A_22, %eq3A : i32
      %and3A = arith.constant 31 : i32
      %and3A_65 = arith.andi %add3A_23, %and3A : i32
      %eq3A_66 = arith.constant 0 : i32
      %eq3A_67 = arith.cmpi eq, %and3A_65, %eq3A_66 : i32
      %or3A = arith.ori %eq3A_64, %eq3A_67 : i1
      %convert_element_type3A = arith.extui %or3A : i1 to i32
      %cond3A = arith.constant 0 : i32
      %cond3A_68 = arith.cmpi ne, %convert_element_type3A, %cond3A : i32
      scf.if %cond3A_68 {
        "tpu.region"() ({
          %run_scoped3A = tpu.sem_alloc : memref<!tpu.dma_semaphore, #tpu.memory_space<semaphore_mem>>
          %dma_start3A_165 = arith.constant 0 : i32
          %dma_start3A_166 = tpu.memref_slice %arg2[%shift_right_logical3A_24, %dma_start3A_165] : memref<26x16384xi32, #tpu.memory_space<hbm>> -> memref<1x16384xi32, #tpu.memory_space<hbm>>
          %dma_start3A_167 = arith.constant 0 : i32
          %dma_start3A_168 = tpu.memref_slice %arg2[%shift_right_logical3A_24, %dma_start3A_167] : memref<26x16384xi32, #tpu.memory_space<hbm>> -> memref<1x16384xi32, #tpu.memory_space<hbm>>
          tpu.enqueue_dma source(%dma_start3A_168 : memref<1x16384xi32, #tpu.memory_space<hbm>>) target(%arg5 : memref<1x16384xi32, #tpu.memory_space<vmem>>) target_semaphore(%run_scoped3A : memref<!tpu.dma_semaphore, #tpu.memory_space<semaphore_mem>>)
          %dma_wait3A_169 = arith.constant 0 : i32
          %dma_wait3A_170 = tpu.memref_slice %arg2[%shift_right_logical3A_24, %dma_wait3A_169] : memref<26x16384xi32, #tpu.memory_space<hbm>> -> memref<1x16384xi32, #tpu.memory_space<hbm>>
          %dma_wait3A_171 = arith.constant 0 : i32
          %dma_wait3A_172 = tpu.memref_slice %arg2[%shift_right_logical3A_24, %dma_wait3A_171] : memref<26x16384xi32, #tpu.memory_space<hbm>> -> memref<1x16384xi32, #tpu.memory_space<hbm>>
          tpu.wait_dma2 semaphore(%run_scoped3A : memref<!tpu.dma_semaphore, #tpu.memory_space<semaphore_mem>>) src(%dma_wait3A_172 : memref<1x16384xi32, #tpu.memory_space<hbm>>) dst(%arg5 : memref<1x16384xi32, #tpu.memory_space<vmem>>)
          tpu.yield
        }) : () -> ()
      } else {
      }
      %dma_wait3A_69 = arith.constant 0 : i32
      %dma_wait3A_70 = arith.constant 0 : i32
      %dma_wait3A_71 = tpu.memref_slice %arg6[%dma_wait3A_69, %dma_wait3A_70] : memref<1x100000xf32, #tpu.memory_space<vmem>> -> memref<1x25088xf32, #tpu.memory_space<vmem>>
      %dma_wait3A_72 = arith.constant 0 : i32
      %dma_wait3A_73 = arith.constant 0 : i32
      %dma_wait3A_74 = tpu.memref_slice %arg3[%dma_wait3A_72, %dma_wait3A_73] : memref<832x100000xf32, #tpu.memory_space<hbm>> -> memref<1x25088xf32, #tpu.memory_space<hbm>>
      %dma_wait3A_75 = arith.constant 0 : i32
      %dma_wait3A_76 = arith.constant 0 : i32
      %dma_wait3A_77 = tpu.memref_slice %arg6[%dma_wait3A_75, %dma_wait3A_76] : memref<1x100000xf32, #tpu.memory_space<vmem>> -> memref<1x25088xf32, #tpu.memory_space<vmem>>
      %dma_wait3A_78 = arith.constant 0 : i32
      %dma_wait3A_79 = arith.constant 0 : i32
      %dma_wait3A_80 = tpu.memref_slice %arg3[%dma_wait3A_78, %dma_wait3A_79] : memref<832x100000xf32, #tpu.memory_space<hbm>> -> memref<1x25088xf32, #tpu.memory_space<hbm>>
      tpu.wait_dma2 semaphore(%arg9 : memref<!tpu.dma_semaphore, #tpu.memory_space<semaphore_mem>>) src(%dma_wait3A_80 : memref<1x25088xf32, #tpu.memory_space<hbm>>) dst(%dma_wait3A_77 : memref<1x25088xf32, #tpu.memory_space<vmem>>)
      %dma_wait3A_81 = arith.constant 0 : i32
      %dma_wait3A_82 = arith.constant 25088 : i32
      %dma_wait3A_83 = tpu.memref_slice %arg6[%dma_wait3A_81, %dma_wait3A_82] : memref<1x100000xf32, #tpu.memory_space<vmem>> -> memref<1x25088xf32, #tpu.memory_space<vmem>>
      %dma_wait3A_84 = arith.constant 0 : i32
      %dma_wait3A_85 = arith.constant 25088 : i32
      %dma_wait3A_86 = tpu.memref_slice %arg3[%dma_wait3A_84, %dma_wait3A_85] : memref<832x100000xf32, #tpu.memory_space<hbm>> -> memref<1x25088xf32, #tpu.memory_space<hbm>>
      %dma_wait3A_87 = arith.constant 0 : i32
      %dma_wait3A_88 = arith.constant 25088 : i32
      %dma_wait3A_89 = tpu.memref_slice %arg6[%dma_wait3A_87, %dma_wait3A_88] : memref<1x100000xf32, #tpu.memory_space<vmem>> -> memref<1x25088xf32, #tpu.memory_space<vmem>>
      %dma_wait3A_90 = arith.constant 0 : i32
      %dma_wait3A_91 = arith.constant 25088 : i32
      %dma_wait3A_92 = tpu.memref_slice %arg3[%dma_wait3A_90, %dma_wait3A_91] : memref<832x100000xf32, #tpu.memory_space<hbm>> -> memref<1x25088xf32, #tpu.memory_space<hbm>>
      tpu.wait_dma2 semaphore(%arg10 : memref<!tpu.dma_semaphore, #tpu.memory_space<semaphore_mem>>) src(%dma_wait3A_92 : memref<1x25088xf32, #tpu.memory_space<hbm>>) dst(%dma_wait3A_89 : memref<1x25088xf32, #tpu.memory_space<vmem>>)
      %dma_wait3A_93 = arith.constant 0 : i32
      %dma_wait3A_94 = arith.constant 50176 : i32
      %dma_wait3A_95 = tpu.memref_slice %arg6[%dma_wait3A_93, %dma_wait3A_94] : memref<1x100000xf32, #tpu.memory_space<vmem>> -> memref<1x25088xf32, #tpu.memory_space<vmem>>
      %dma_wait3A_96 = arith.constant 0 : i32
      %dma_wait3A_97 = arith.constant 50176 : i32
      %dma_wait3A_98 = tpu.memref_slice %arg3[%dma_wait3A_96, %dma_wait3A_97] : memref<832x100000xf32, #tpu.memory_space<hbm>> -> memref<1x25088xf32, #tpu.memory_space<hbm>>
      %dma_wait3A_99 = arith.constant 0 : i32
      %dma_wait3A_100 = arith.constant 50176 : i32
      %dma_wait3A_101 = tpu.memref_slice %arg6[%dma_wait3A_99, %dma_wait3A_100] : memref<1x100000xf32, #tpu.memory_space<vmem>> -> memref<1x25088xf32, #tpu.memory_space<vmem>>
      %dma_wait3A_102 = arith.constant 0 : i32
      %dma_wait3A_103 = arith.constant 50176 : i32
      %dma_wait3A_104 = tpu.memref_slice %arg3[%dma_wait3A_102, %dma_wait3A_103] : memref<832x100000xf32, #tpu.memory_space<hbm>> -> memref<1x25088xf32, #tpu.memory_space<hbm>>
      tpu.wait_dma2 semaphore(%arg9 : memref<!tpu.dma_semaphore, #tpu.memory_space<semaphore_mem>>) src(%dma_wait3A_104 : memref<1x25088xf32, #tpu.memory_space<hbm>>) dst(%dma_wait3A_101 : memref<1x25088xf32, #tpu.memory_space<vmem>>)
      %dma_wait3A_105 = arith.constant 0 : i32
      %dma_wait3A_106 = arith.constant 75264 : i32
      %dma_wait3A_107 = tpu.memref_slice %arg6[%dma_wait3A_105, %dma_wait3A_106] : memref<1x100000xf32, #tpu.memory_space<vmem>> -> memref<1x24736xf32, #tpu.memory_space<vmem>>
      %dma_wait3A_108 = arith.constant 0 : i32
      %dma_wait3A_109 = arith.constant 75264 : i32
      %dma_wait3A_110 = tpu.memref_slice %arg3[%dma_wait3A_108, %dma_wait3A_109] : memref<832x100000xf32, #tpu.memory_space<hbm>> -> memref<1x24736xf32, #tpu.memory_space<hbm>>
      %dma_wait3A_111 = arith.constant 0 : i32
      %dma_wait3A_112 = arith.constant 75264 : i32
      %dma_wait3A_113 = tpu.memref_slice %arg6[%dma_wait3A_111, %dma_wait3A_112] : memref<1x100000xf32, #tpu.memory_space<vmem>> -> memref<1x24736xf32, #tpu.memory_space<vmem>>
      %dma_wait3A_114 = arith.constant 0 : i32
      %dma_wait3A_115 = arith.constant 75264 : i32
      %dma_wait3A_116 = tpu.memref_slice %arg3[%dma_wait3A_114, %dma_wait3A_115] : memref<832x100000xf32, #tpu.memory_space<hbm>> -> memref<1x24736xf32, #tpu.memory_space<hbm>>
      tpu.wait_dma2 semaphore(%arg10 : memref<!tpu.dma_semaphore, #tpu.memory_space<semaphore_mem>>) src(%dma_wait3A_116 : memref<1x24736xf32, #tpu.memory_space<hbm>>) dst(%dma_wait3A_113 : memref<1x24736xf32, #tpu.memory_space<vmem>>)
      %gt3A = arith.constant 0 : i32
      %gt3A_117 = arith.cmpi sgt, %add3A_22, %gt3A : i32
      %convert_element_type3A_118 = arith.extui %gt3A_117 : i1 to i32
      %cond3A_119 = arith.constant 0 : i32
      %cond3A_120 = arith.cmpi ne, %convert_element_type3A_118, %cond3A_119 : i32
      scf.if %cond3A_120 {
        %dma_wait3A_165 = arith.constant 0 : i32
        %dma_wait3A_166 = arith.constant 0 : i32
        %dma_wait3A_167 = tpu.memref_slice %arg4[%dma_wait3A_165, %dma_wait3A_166] : memref<832x16384xf32, #tpu.memory_space<hbm>> -> memref<1x4096xf32, #tpu.memory_space<hbm>>
        %dma_wait3A_168 = arith.constant 0 : i32
        %dma_wait3A_169 = arith.constant 0 : i32
        %dma_wait3A_170 = tpu.memref_slice %arg4[%dma_wait3A_168, %dma_wait3A_169] : memref<832x16384xf32, #tpu.memory_space<hbm>> -> memref<1x4096xf32, #tpu.memory_space<hbm>>
        tpu.wait_dma2 semaphore(%arg11 : memref<!tpu.dma_semaphore, #tpu.memory_space<semaphore_mem>>) src(%arg7 : memref<1x4096xf32, #tpu.memory_space<vmem>>) dst(%dma_wait3A_170 : memref<1x4096xf32, #tpu.memory_space<hbm>>)
      } else {
      }
      %parallel_loop3A = arith.constant 0 : i32
      %parallel_loop3A_121 = arith.constant 4096 : i32
      %parallel_loop3A_122 = arith.constant 16 : i32
      scf.for %parallel_loop3A_165 = %parallel_loop3A to %parallel_loop3A_121 step %parallel_loop3A_122  : i32 {
        %parallel_loop3A_166 = arith.constant 0 : i32
        %parallel_loop3A_167 = arith.addi %parallel_loop3A_166, %parallel_loop3A_165 : i32
        %parallel_loop3A_168 = arith.constant 0 : i32
        %parallel_loop3A_169 = arith.index_cast %parallel_loop3A_168 : i32 to index
        %parallel_loop3A_170 = arith.index_cast %parallel_loop3A_167 : i32 to index
        %parallel_loop3A_171 = tpu.vector_load %arg5[%parallel_loop3A_169, %parallel_loop3A_170] {strides = array<i32>} : memref<1x16384xi32, #tpu.memory_space<vmem>>, vector<16xi32>,
        %parallel_loop3A_172 = arith.constant 0 : i32
        %parallel_loop3A_173 = arith.constant 0 : i32
        %parallel_loop3A_174 = tpu.memref_slice %arg6[%parallel_loop3A_172, %parallel_loop3A_173] : memref<1x100000xf32, #tpu.memory_space<vmem>> -> memref<1x100000xf32, #tpu.memory_space<vmem>>
        %parallel_loop3A_175 = tpu.memref_squeeze %parallel_loop3A_174 : memref<1x100000xf32, #tpu.memory_space<vmem>> -> memref<100000xf32, #tpu.memory_space<vmem>>
        %parallel_loop3A_176 = tpu.vector_load_idx %parallel_loop3A_175[%parallel_loop3A_171] : memref<100000xf32, #tpu.memory_space<vmem>>[vector<16xi32>], vector<16xf32>,
        %parallel_loop3A_177 = arith.constant 0 : i32
        %parallel_loop3A_178 = arith.index_cast %parallel_loop3A_177 : i32 to index
        %parallel_loop3A_179 = arith.index_cast %parallel_loop3A_165 : i32 to index
        %parallel_loop3A_180 = tpu.vector_load %arg7[%parallel_loop3A_178, %parallel_loop3A_179] {strides = array<i32>} : memref<1x4096xf32, #tpu.memory_space<vmem>>, vector<16xf32>,
        tpu.vector_store %arg7[%parallel_loop3A_178, %parallel_loop3A_179], %parallel_loop3A_176 {strides = array<i32>} : memref<1x4096xf32, #tpu.memory_space<vmem>>, vector<16xf32>,
      } {sc.loop_unroll_factor = 8 : i64, sc.parallel_access}
      %dma_start3A_123 = arith.constant 0 : i32
      %dma_start3A_124 = tpu.memref_slice %arg4[%add3A_23, %dma_start3A_123] : memref<832x16384xf32, #tpu.memory_space<hbm>> -> memref<1x4096xf32, #tpu.memory_space<hbm>>
      %dma_start3A_125 = arith.constant 0 : i32
      %dma_start3A_126 = tpu.memref_slice %arg4[%add3A_23, %dma_start3A_125] : memref<832x16384xf32, #tpu.memory_space<hbm>> -> memref<1x4096xf32, #tpu.memory_space<hbm>>
      tpu.enqueue_dma source(%arg7 : memref<1x4096xf32, #tpu.memory_space<vmem>>) target(%dma_start3A_126 : memref<1x4096xf32, #tpu.memory_space<hbm>>) target_semaphore(%arg11 : memref<!tpu.dma_semaphore, #tpu.memory_space<semaphore_mem>>)
      %gt3A_127 = arith.constant 0 : i32
      %gt3A_128 = arith.cmpi sgt, %add3A_22, %gt3A_127 : i32
      %convert_element_type3A_129 = arith.extui %gt3A_128 : i1 to i32
      %cond3A_130 = arith.constant 0 : i32
      %cond3A_131 = arith.cmpi ne, %convert_element_type3A_129, %cond3A_130 : i32
      scf.if %cond3A_131 {
        %dma_wait3A_165 = arith.constant 0 : i32
        %dma_wait3A_166 = arith.constant 0 : i32
        %dma_wait3A_167 = tpu.memref_slice %arg4[%dma_wait3A_165, %dma_wait3A_166] : memref<832x16384xf32, #tpu.memory_space<hbm>> -> memref<1x4096xf32, #tpu.memory_space<hbm>>
        %dma_wait3A_168 = arith.constant 0 : i32
        %dma_wait3A_169 = arith.constant 0 : i32
        %dma_wait3A_170 = tpu.memref_slice %arg4[%dma_wait3A_168, %dma_wait3A_169] : memref<832x16384xf32, #tpu.memory_space<hbm>> -> memref<1x4096xf32, #tpu.memory_space<hbm>>
        tpu.wait_dma2 semaphore(%arg12 : memref<!tpu.dma_semaphore, #tpu.memory_space<semaphore_mem>>) src(%arg8 : memref<1x4096xf32, #tpu.memory_space<vmem>>) dst(%dma_wait3A_170 : memref<1x4096xf32, #tpu.memory_space<hbm>>)
      } else {
      }
      %parallel_loop3A_132 = arith.constant 0 : i32
      %parallel_loop3A_133 = arith.constant 4096 : i32
      %parallel_loop3A_134 = arith.constant 16 : i32
      scf.for %parallel_loop3A_165 = %parallel_loop3A_132 to %parallel_loop3A_133 step %parallel_loop3A_134  : i32 {
        %parallel_loop3A_166 = arith.constant 4096 : i32
        %parallel_loop3A_167 = arith.addi %parallel_loop3A_166, %parallel_loop3A_165 : i32
        %parallel_loop3A_168 = arith.constant 0 : i32
        %parallel_loop3A_169 = arith.index_cast %parallel_loop3A_168 : i32 to index
        %parallel_loop3A_170 = arith.index_cast %parallel_loop3A_167 : i32 to index
        %parallel_loop3A_171 = tpu.vector_load %arg5[%parallel_loop3A_169, %parallel_loop3A_170] {strides = array<i32>} : memref<1x16384xi32, #tpu.memory_space<vmem>>, vector<16xi32>,
        %parallel_loop3A_172 = arith.constant 0 : i32
        %parallel_loop3A_173 = arith.constant 0 : i32
        %parallel_loop3A_174 = tpu.memref_slice %arg6[%parallel_loop3A_172, %parallel_loop3A_173] : memref<1x100000xf32, #tpu.memory_space<vmem>> -> memref<1x100000xf32, #tpu.memory_space<vmem>>
        %parallel_loop3A_175 = tpu.memref_squeeze %parallel_loop3A_174 : memref<1x100000xf32, #tpu.memory_space<vmem>> -> memref<100000xf32, #tpu.memory_space<vmem>>
        %parallel_loop3A_176 = tpu.vector_load_idx %parallel_loop3A_175[%parallel_loop3A_171] : memref<100000xf32, #tpu.memory_space<vmem>>[vector<16xi32>], vector<16xf32>,
        %parallel_loop3A_177 = arith.constant 0 : i32
        %parallel_loop3A_178 = arith.index_cast %parallel_loop3A_177 : i32 to index
        %parallel_loop3A_179 = arith.index_cast %parallel_loop3A_165 : i32 to index
        %parallel_loop3A_180 = tpu.vector_load %arg8[%parallel_loop3A_178, %parallel_loop3A_179] {strides = array<i32>} : memref<1x4096xf32, #tpu.memory_space<vmem>>, vector<16xf32>,
        tpu.vector_store %arg8[%parallel_loop3A_178, %parallel_loop3A_179], %parallel_loop3A_176 {strides = array<i32>} : memref<1x4096xf32, #tpu.memory_space<vmem>>, vector<16xf32>,
      } {sc.loop_unroll_factor = 8 : i64, sc.parallel_access}
      %dma_start3A_135 = arith.constant 4096 : i32
      %dma_start3A_136 = tpu.memref_slice %arg4[%add3A_23, %dma_start3A_135] : memref<832x16384xf32, #tpu.memory_space<hbm>> -> memref<1x4096xf32, #tpu.memory_space<hbm>>
      %dma_start3A_137 = arith.constant 4096 : i32
      %dma_start3A_138 = tpu.memref_slice %arg4[%add3A_23, %dma_start3A_137] : memref<832x16384xf32, #tpu.memory_space<hbm>> -> memref<1x4096xf32, #tpu.memory_space<hbm>>
      tpu.enqueue_dma source(%arg8 : memref<1x4096xf32, #tpu.memory_space<vmem>>) target(%dma_start3A_138 : memref<1x4096xf32, #tpu.memory_space<hbm>>) target_semaphore(%arg12 : memref<!tpu.dma_semaphore, #tpu.memory_space<semaphore_mem>>)
      %dma_wait3A_139 = arith.constant 0 : i32
      %dma_wait3A_140 = arith.constant 0 : i32
      %dma_wait3A_141 = tpu.memref_slice %arg4[%dma_wait3A_139, %dma_wait3A_140] : memref<832x16384xf32, #tpu.memory_space<hbm>> -> memref<1x4096xf32, #tpu.memory_space<hbm>>
      %dma_wait3A_142 = arith.constant 0 : i32
      %dma_wait3A_143 = arith.constant 0 : i32
      %dma_wait3A_144 = tpu.memref_slice %arg4[%dma_wait3A_142, %dma_wait3A_143] : memref<832x16384xf32, #tpu.memory_space<hbm>> -> memref<1x4096xf32, #tpu.memory_space<hbm>>
      tpu.wait_dma2 semaphore(%arg11 : memref<!tpu.dma_semaphore, #tpu.memory_space<semaphore_mem>>) src(%arg7 : memref<1x4096xf32, #tpu.memory_space<vmem>>) dst(%dma_wait3A_144 : memref<1x4096xf32, #tpu.memory_space<hbm>>)
      %parallel_loop3A_145 = arith.constant 0 : i32
      %parallel_loop3A_146 = arith.constant 4096 : i32
      %parallel_loop3A_147 = arith.constant 16 : i32
      scf.for %parallel_loop3A_165 = %parallel_loop3A_145 to %parallel_loop3A_146 step %parallel_loop3A_147  : i32 {
        %parallel_loop3A_166 = arith.constant 8192 : i32
        %parallel_loop3A_167 = arith.addi %parallel_loop3A_166, %parallel_loop3A_165 : i32
        %parallel_loop3A_168 = arith.constant 0 : i32
        %parallel_loop3A_169 = arith.index_cast %parallel_loop3A_168 : i32 to index
        %parallel_loop3A_170 = arith.index_cast %parallel_loop3A_167 : i32 to index
        %parallel_loop3A_171 = tpu.vector_load %arg5[%parallel_loop3A_169, %parallel_loop3A_170] {strides = array<i32>} : memref<1x16384xi32, #tpu.memory_space<vmem>>, vector<16xi32>,
        %parallel_loop3A_172 = arith.constant 0 : i32
        %parallel_loop3A_173 = arith.constant 0 : i32
        %parallel_loop3A_174 = tpu.memref_slice %arg6[%parallel_loop3A_172, %parallel_loop3A_173] : memref<1x100000xf32, #tpu.memory_space<vmem>> -> memref<1x100000xf32, #tpu.memory_space<vmem>>
        %parallel_loop3A_175 = tpu.memref_squeeze %parallel_loop3A_174 : memref<1x100000xf32, #tpu.memory_space<vmem>> -> memref<100000xf32, #tpu.memory_space<vmem>>
        %parallel_loop3A_176 = tpu.vector_load_idx %parallel_loop3A_175[%parallel_loop3A_171] : memref<100000xf32, #tpu.memory_space<vmem>>[vector<16xi32>], vector<16xf32>,
        %parallel_loop3A_177 = arith.constant 0 : i32
        %parallel_loop3A_178 = arith.index_cast %parallel_loop3A_177 : i32 to index
        %parallel_loop3A_179 = arith.index_cast %parallel_loop3A_165 : i32 to index
        %parallel_loop3A_180 = tpu.vector_load %arg7[%parallel_loop3A_178, %parallel_loop3A_179] {strides = array<i32>} : memref<1x4096xf32, #tpu.memory_space<vmem>>, vector<16xf32>,
        tpu.vector_store %arg7[%parallel_loop3A_178, %parallel_loop3A_179], %parallel_loop3A_176 {strides = array<i32>} : memref<1x4096xf32, #tpu.memory_space<vmem>>, vector<16xf32>,
      } {sc.loop_unroll_factor = 8 : i64, sc.parallel_access}
      %dma_start3A_148 = arith.constant 8192 : i32
      %dma_start3A_149 = tpu.memref_slice %arg4[%add3A_23, %dma_start3A_148] : memref<832x16384xf32, #tpu.memory_space<hbm>> -> memref<1x4096xf32, #tpu.memory_space<hbm>>
      %dma_start3A_150 = arith.constant 8192 : i32
      %dma_start3A_151 = tpu.memref_slice %arg4[%add3A_23, %dma_start3A_150] : memref<832x16384xf32, #tpu.memory_space<hbm>> -> memref<1x4096xf32, #tpu.memory_space<hbm>>
      tpu.enqueue_dma source(%arg7 : memref<1x4096xf32, #tpu.memory_space<vmem>>) target(%dma_start3A_151 : memref<1x4096xf32, #tpu.memory_space<hbm>>) target_semaphore(%arg11 : memref<!tpu.dma_semaphore, #tpu.memory_space<semaphore_mem>>)
      %dma_wait3A_152 = arith.constant 0 : i32
      %dma_wait3A_153 = arith.constant 0 : i32
      %dma_wait3A_154 = tpu.memref_slice %arg4[%dma_wait3A_152, %dma_wait3A_153] : memref<832x16384xf32, #tpu.memory_space<hbm>> -> memref<1x4096xf32, #tpu.memory_space<hbm>>
      %dma_wait3A_155 = arith.constant 0 : i32
      %dma_wait3A_156 = arith.constant 0 : i32
      %dma_wait3A_157 = tpu.memref_slice %arg4[%dma_wait3A_155, %dma_wait3A_156] : memref<832x16384xf32, #tpu.memory_space<hbm>> -> memref<1x4096xf32, #tpu.memory_space<hbm>>
      tpu.wait_dma2 semaphore(%arg12 : memref<!tpu.dma_semaphore, #tpu.memory_space<semaphore_mem>>) src(%arg8 : memref<1x4096xf32, #tpu.memory_space<vmem>>) dst(%dma_wait3A_157 : memref<1x4096xf32, #tpu.memory_space<hbm>>)
      %parallel_loop3A_158 = arith.constant 0 : i32
      %parallel_loop3A_159 = arith.constant 4096 : i32
      %parallel_loop3A_160 = arith.constant 16 : i32
      scf.for %parallel_loop3A_165 = %parallel_loop3A_158 to %parallel_loop3A_159 step %parallel_loop3A_160  : i32 {
        %parallel_loop3A_166 = arith.constant 12288 : i32
        %parallel_loop3A_167 = arith.addi %parallel_loop3A_166, %parallel_loop3A_165 : i32
        %parallel_loop3A_168 = arith.constant 0 : i32
        %parallel_loop3A_169 = arith.index_cast %parallel_loop3A_168 : i32 to index
        %parallel_loop3A_170 = arith.index_cast %parallel_loop3A_167 : i32 to index
        %parallel_loop3A_171 = tpu.vector_load %arg5[%parallel_loop3A_169, %parallel_loop3A_170] {strides = array<i32>} : memref<1x16384xi32, #tpu.memory_space<vmem>>, vector<16xi32>,
        %parallel_loop3A_172 = arith.constant 0 : i32
        %parallel_loop3A_173 = arith.constant 0 : i32
        %parallel_loop3A_174 = tpu.memref_slice %arg6[%parallel_loop3A_172, %parallel_loop3A_173] : memref<1x100000xf32, #tpu.memory_space<vmem>> -> memref<1x100000xf32, #tpu.memory_space<vmem>>
        %parallel_loop3A_175 = tpu.memref_squeeze %parallel_loop3A_174 : memref<1x100000xf32, #tpu.memory_space<vmem>> -> memref<100000xf32, #tpu.memory_space<vmem>>
        %parallel_loop3A_176 = tpu.vector_load_idx %parallel_loop3A_175[%parallel_loop3A_171] : memref<100000xf32, #tpu.memory_space<vmem>>[vector<16xi32>], vector<16xf32>,
        %parallel_loop3A_177 = arith.constant 0 : i32
        %parallel_loop3A_178 = arith.index_cast %parallel_loop3A_177 : i32 to index
        %parallel_loop3A_179 = arith.index_cast %parallel_loop3A_165 : i32 to index
        %parallel_loop3A_180 = tpu.vector_load %arg8[%parallel_loop3A_178, %parallel_loop3A_179] {strides = array<i32>} : memref<1x4096xf32, #tpu.memory_space<vmem>>, vector<16xf32>,
        tpu.vector_store %arg8[%parallel_loop3A_178, %parallel_loop3A_179], %parallel_loop3A_176 {strides = array<i32>} : memref<1x4096xf32, #tpu.memory_space<vmem>>, vector<16xf32>,
      } {sc.loop_unroll_factor = 8 : i64, sc.parallel_access}
      %dma_start3A_161 = arith.constant 12288 : i32
      %dma_start3A_162 = tpu.memref_slice %arg4[%add3A_23, %dma_start3A_161] : memref<832x16384xf32, #tpu.memory_space<hbm>> -> memref<1x4096xf32, #tpu.memory_space<hbm>>
      %dma_start3A_163 = arith.constant 12288 : i32
      %dma_start3A_164 = tpu.memref_slice %arg4[%add3A_23, %dma_start3A_163] : memref<832x16384xf32, #tpu.memory_space<hbm>> -> memref<1x4096xf32, #tpu.memory_space<hbm>>
      tpu.enqueue_dma source(%arg8 : memref<1x4096xf32, #tpu.memory_space<vmem>>) target(%dma_start3A_164 : memref<1x4096xf32, #tpu.memory_space<hbm>>) target_semaphore(%arg12 : memref<!tpu.dma_semaphore, #tpu.memory_space<semaphore_mem>>)
    }
    %scan3A_6 = arith.constant 26 : i32
    %dma_wait3A = arith.constant 0 : i32
    %dma_wait3A_7 = arith.constant 0 : i32
    %dma_wait3A_8 = tpu.memref_slice %arg4[%dma_wait3A, %dma_wait3A_7] : memref<832x16384xf32, #tpu.memory_space<hbm>> -> memref<1x4096xf32, #tpu.memory_space<hbm>>
    %dma_wait3A_9 = arith.constant 0 : i32
    %dma_wait3A_10 = arith.constant 0 : i32
    %dma_wait3A_11 = tpu.memref_slice %arg4[%dma_wait3A_9, %dma_wait3A_10] : memref<832x16384xf32, #tpu.memory_space<hbm>> -> memref<1x4096xf32, #tpu.memory_space<hbm>>
    tpu.wait_dma2 semaphore(%arg11 : memref<!tpu.dma_semaphore, #tpu.memory_space<semaphore_mem>>) src(%arg7 : memref<1x4096xf32, #tpu.memory_space<vmem>>) dst(%dma_wait3A_11 : memref<1x4096xf32, #tpu.memory_space<hbm>>)
    %dma_wait3A_12 = arith.constant 0 : i32
    %dma_wait3A_13 = arith.constant 0 : i32
    %dma_wait3A_14 = tpu.memref_slice %arg4[%dma_wait3A_12, %dma_wait3A_13] : memref<832x16384xf32, #tpu.memory_space<hbm>> -> memref<1x4096xf32, #tpu.memory_space<hbm>>
    %dma_wait3A_15 = arith.constant 0 : i32
    %dma_wait3A_16 = arith.constant 0 : i32
    %dma_wait3A_17 = tpu.memref_slice %arg4[%dma_wait3A_15, %dma_wait3A_16] : memref<832x16384xf32, #tpu.memory_space<hbm>> -> memref<1x4096xf32, #tpu.memory_space<hbm>>
    tpu.wait_dma2 semaphore(%arg12 : memref<!tpu.dma_semaphore, #tpu.memory_space<semaphore_mem>>) src(%arg8 : memref<1x4096xf32, #tpu.memory_space<vmem>>) dst(%dma_wait3A_17 : memref<1x4096xf32, #tpu.memory_space<hbm>>)
    return
  }
}

</mosaic_0001>

<sc_bundles>
// kernel: kernel.3.cloned.1.call-start
scs
__scs_entry_jumppad:
0x0: {  	(pc) =	sbr.rel $0x88, $3  }
0x1: {  	(tag) =	ssettag $0x0;
	lr =	simm.s32 $0x1  }
0x2: {  	[smem:$0x3F9F] =	sst lr;
	_ =	strace $0xD0000000  }
0x3: {  	_ = 	snop  }
0x4: {  	_ = 	snop  }
0x5: {  	_ = 	snop  }
0x6: {  	_ = 	snop  }
0x7: {  	_ = 	snop  }
__scs_overlays_trampoline_lowered:
0x8: {  	[smem:$0x3FAE] =	sst s0  }
0x9: {  	[smem:$0x3FAF] =	sst s1  }
0xa: {  	[smem:$0x3FB0] =	sst s2  }
0xb: {  	[smem:$0x3FB1] =	sst s3  }
0xc: {  	[smem:$0x3FB2] =	sst s4  }
0xd: {  	[smem:$0x3FB3] =	sst s5  }
0xe: {  	[smem:$0x3FB4] =	sst s6  }
0xf: {  	[smem:$0x3FB5] =	sst s7  }
0x10: {  	[smem:$0x3FB6] =	sst s8  }
0x11: {  	[smem:$0x3FB7] =	sst s9;
	s0 =	simm.s32 @!p0 $0x0  }
0x12: {  	s1 =	sld [smem:$0x3F9D];
	s0 =	simm.s32 @p0 $0x1  }
0x13: {  	[smem:$0x3FB8] =	sst s0;
	s0 =	simm.s32 @!p1 $0x0  }
0x14: {  	s2 =	sld [smem:$0x3F9C];
	s0 =	simm.s32 @p1 $0x1  }
0x15: {  	[smem:$0x3FB9] =	sst s0;
	s0 =	simm.s32 @!p2 $0x0  }
0x16: {  	s3 =	sld [smem:$0x3FDB];
	s0 =	simm.s32 @p2 $0x1  }
0x17: {  	s4 =	simm.s32 $0x1BF5;
	[smem:$0x3FBB] =	sst s0  }
0x18: {  	s0 =	sld [smem:$0x3F9E];
	_ =	swait.ge [sflag:s4], $0x0  }
0x19: {  	s7 =	sld [smem:$0x3F9F]  }
0x1a: {  	s8 =	sadd.s32 $0xFFFFE003, lr  }
0x1b: {  	s9 =	sadd.s32 $0xFFFFFEF7, lr;
	s5 =	simm.s32 $0xFFFFFFFF;
	p2 =	slt.u32 s8, $0xFFFFF086  }
0x1c: {  	p1 =	slt.u32 s9, $0xF7A;
	s5 =	simm.s32 @!p2 $0x0  }
0x1d: {  	s5 =	simm.s32 @p1 $0x1;
	p0 =	seq.s32 s7, s2  }
0x1e: {  	s7 =	smul.u32 @!p0 $0xF7A, s2;
	p2 =	seq.s32 @!p0 s5, $0x0  }
0x1f: {  	s9 =	smul.u32 $0xF7A, s1;
	s8 =	simm.s32 @!p0 $0x1BF5;
	p2 =	por !p2, p0  }
0x20: {  	[sflag:s8] =	ssyncset.s32 @!p0 $0xFFFFF086;
	s6 =	sadd.s32 @!p0 s3, s7;
	s7 =	simm.s32 @!p0 $0x108  }
0x21: {  	s3 =	sadd.s32 s3, s9;
	s6 =	sadd.s32 @!p0 $0x88, s6;
	s7 =	simm.s32 @p2 $0x1082  }
0x22: {  	[simem:s7], [sflag:s8] =	dma.local @!p0 [hbm:s6], $0xF7A  }
0x23: {  	s9 =	sor.u32 $0xD0000000, s2;
	s6 =	simm.s32 $0x108;
	_ =	swait.ge @!p0 [sflag:s8], $0x0  }
0x24: {  	s3 =	sadd.s32 $0x88, s3;
	s6 =	simm.s32 @!p1 $0x1082;
	[sflag:s4] =	ssyncset.s32 $0xFFFFF086  }
0x25: {  	[simem:s6], [sflag:s4] =	dma.local [hbm:s3], $0xF7A  }
0x26: {  	[smem:$0x3F9F] =	sst s1;
	(tag) =	ssettag s2;
	_ =	strace s9  }
0x27: {  	s1 =	sld [smem:$0x3FAF]  }
0x28: {  	s2 =	sld [smem:$0x3FB0]  }
0x29: {  	s4 =	sld [smem:$0x3FB2]  }
0x2a: {  	p0 =	seq.s32 s5, $0x0;
	s5 =	sld [smem:$0x3FB3]  }
0x2b: {  	s6 =	sld [smem:$0x3FB4]  }
0x2c: {  	s7 =	sld [smem:$0x3FB5]  }
0x2d: {  	s3 =	simm.s32 $0x108;
	s8 =	sld [smem:$0x3FB6]  }
0x2e: {  	s3 =	simm.s32 @!p0 $0x1082;
	s9 =	sld [smem:$0x3FB7]  }
0x2f: {  	lr =	sadd.s32 s0, s3;
	s0 =	sld [smem:$0x3FAE]  }
0x30: {  	s3 =	sld [smem:$0x3FB1]  }
0x31: {  	[smem:$0x3FBA] =	sst s10  }
0x32: {  	s10 =	sld [smem:$0x3FB8];
	_ =	sdelay $0x3  }
0x33: {  	p0 =	seq.s32 s10, $0x1;
	s10 =	sld [smem:$0x3FBA];
	_ =	sdelay $0x3  }
0x34: {  	[smem:$0x3FBA] =	sst s10  }
0x35: {  	s10 =	sld [smem:$0x3FB9];
	_ =	sdelay $0x3  }
0x36: {  	p1 =	seq.s32 s10, $0x1;
	s10 =	sld [smem:$0x3FBA];
	_ =	sdelay $0x3  }
0x37: {  	[smem:$0x3FBA] =	sst s10  }
0x38: {  	s10 =	sld [smem:$0x3FBB]  }
0x39: {  	_ = 	snop;
	(pc) =	sbr.ind lr, $3  }
0x3a: {  	_ = 	snop  }
0x3b: {  	_ = 	snop  }
0x3c: {  	p2 =	seq.s32 s10, $0x1;
	s10 =	sld [smem:$0x3FBA]  }
0x3d: {  	_ =	shalt  }
0x3e: {  	_ =	shalt  }
0x3f: {  	_ =	shalt  }
0x40: {  	_ =	shalt  }
0x41: {  	_ =	shalt  }
0x42: {  	_ =	shalt  }
0x43: {  	_ =	shalt  }
0x44: {  	_ =	shalt  }
0x45: {  	_ =	shalt  }
0x46: {  	_ =	shalt  }
0x47: {  	_ =	shalt  }
0x48: {  	_ =	shalt  }
0x49: {  	_ =	shalt  }
0x4a: {  	_ =	shalt  }
0x4b: {  	_ =	shalt  }
0x4c: {  	_ =	shalt  }
0x4d: {  	_ =	shalt  }
0x4e: {  	_ =	shalt  }
0x4f: {  	_ =	shalt  }
0x50: {  	_ =	shalt  }
0x51: {  	_ =	shalt  }
0x52: {  	_ =	shalt  }
0x53: {  	_ =	shalt  }
0x54: {  	_ =	shalt  }
0x55: {  	_ =	shalt  }
0x56: {  	_ =	shalt  }
0x57: {  	_ =	shalt  }
0x58: {  	_ =	shalt  }
0x59: {  	_ =	shalt  }
0x5a: {  	_ =	shalt  }
0x5b: {  	_ =	shalt  }
0x5c: {  	_ =	shalt  }
0x5d: {  	_ =	shalt  }
0x5e: {  	_ =	shalt  }
0x5f: {  	_ =	shalt  }
0x60: {  	_ =	shalt  }
0x61: {  	_ =	shalt  }
0x62: {  	_ =	shalt  }
0x63: {  	_ =	shalt  }
0x64: {  	_ =	shalt  }
0x65: {  	_ =	shalt  }
0x66: {  	_ =	shalt  }
0x67: {  	_ =	shalt  }
0x68: {  	_ =	shalt  }
0x69: {  	_ =	shalt  }
0x6a: {  	_ =	shalt  }
0x6b: {  	_ =	shalt  }
0x6c: {  	_ =	shalt  }
0x6d: {  	_ =	shalt  }
0x6e: {  	_ =	shalt  }
0x6f: {  	_ =	shalt  }
0x70: {  	_ =	shalt  }
0x71: {  	_ =	shalt  }
0x72: {  	_ =	shalt  }
0x73: {  	_ =	shalt  }
0x74: {  	_ =	shalt  }
0x75: {  	_ =	shalt  }
0x76: {  	_ =	shalt  }
0x77: {  	_ =	shalt  }
0x78: {  	_ =	shalt  }
0x79: {  	_ =	shalt  }
0x7a: {  	_ =	shalt  }
0x7b: {  	_ =	shalt  }
0x7c: {  	_ =	shalt  }
0x7d: {  	_ =	shalt  }
0x7e: {  	_ =	shalt  }
0x7f: {  	_ =	shalt  }
0x80: {  	_ =	shalt  }
0x81: {  	_ =	shalt  }
0x82: {  	_ =	shalt  }
0x83: {  	_ =	shalt  }
0x84: {  	_ =	shalt  }
0x85: {  	_ =	shalt  }
0x86: {  	_ =	shalt  }
0x87: {  	_ =	shalt  }
.Lfunc_end0:
.L_simem_size_0:
called_computation_lowered:
.L_overlay_start_0:
0x88: {  	s2 =	sld [smem:$0x3FD9]  }
0x89: {  	s3 =	sld [smem:$0x3FFE];
	_ =	sdelay $0x1  }
0x8a: {  	s1 =	srdreg.scid  }
0x8b: {  	s0 =	sand.u32 $0x1, s1  }
0x8c: {  	s18 =	sshll.u32 s0, $0xA;
	s2 =	sadd.s32 s3, s2  }
0x8d: {  	s2 =	sadd.s32 s2, s18  }
0x8e: {  	[smem:$0x3FC6] =	sst s2  }
0x8f: {  	_ = 	snop  }
0x90: {  	s2 =	sld [smem:$0x3FC9]  }
0x91: {  	s19 =	sld [smem:$0x3FC8]  }
0x92: {  	s4 =	sld [smem:$0x3FD0];
	(tm) =	ssettm $0x1  }
0x93: {  	s5 =	sld [smem:$0x3FFB];
	_ =	sdelay $0x3  }
0x94: {  	_ =	strace s5  }
0x95: {  	s5 =	sld [smem:$0x3FFC];
	_ =	sdelay $0x3  }
0x96: {  	_ =	strace s5  }
0x97: {  	s5 =	sld [smem:$0x3FFD];
	_ =	sdelay $0x3  }
0x98: {  	_ =	strace s5  }
0x99: {  	_ =	strace $0x8FFFFFFF  }
0x9a: {  	s20 =	sld [smem:$0x3FDB];
	_ =	sdelay $0x1  }
0x9b: {  	s6 =	simm.s32 $_scs_section_size  }
0x9c: {  	s7 =	simm.s32 $_size__tile_overlayer_lowered;
	s8 =	simm.s32 $_tile_overlayer_lowered  }
0x9d: {  	s23 =	simm.s32 $0x1BFF;
	s22 =	sshll.u32 s8, $0x1;
	s5 =	sadd.s32 s6, s20  }
0x9e: {  	s9 =	simm.s32 $0x0;
	s21 =	sshll.u32 s7, $0x1;
	s7 =	sadd.s32 s22, s5  }
0x9f: {  	[timem:s9], [sflag:s23] =	dma.local [hbm:s7], s21  }
0xa0: {  	_ =	swait.ge [sflag:s23], s21  }
0xa1: {  	s6 =	ssub.s32 $0x0, s21;
	[sflag:s23] =	ssyncset.done $0x0  }
0xa2: {  	[sflag:s23] =	ssyncadd.s32 s6;
	_ =	sdelay $0x1  }
0xa3: {  	s24 =	simm.s32 $0x1B8B  }
0xa4: {  	_ =	swait.ge [sflag:s24], $0x1  }
0xa5: {  	[sflag:s24] =	ssyncset.done $0x0  }
0xa6: {  	s25 =	simm.s32 $0x1B8E;
	[sflag:s24] =	ssyncadd.s32 $0xFFFFFFFF  }
0xa7: {  	s26 =	simm.s32 $execute0_lowered;
	[smem:$0x3FD2] =	sst s25  }
0xa8: {  	s6 =	sshll.u32 s26, $0x1;
	_ =	strace $0x80000046;
	[dreg:$0x1] =	wrdreg $0xFFFFFFFF  }
0xa9: {  	s28 =	simm.s32 $_size_execute0_lowered;
	s5 =	sadd.s32 s5, s6;
	[dreg:$0x0] =	wrdreg $0x0  }
0xaa: {  	s6 =	sshll.u32 s28, $0x1;
	[dreg:$0x2] =	wrdreg s5  }
0xab: {  	[dreg:$0x3] =	wrdreg s6  }
0xac: {  	[dreg:$0x4] =	wrdreg $0xC0  }
0xad: {  	_ =	task [dreg:s9], $0x5FFFF  }
0xae: {  	[dreg:$0x1] =	wrdreg $0xFFFFFFFF  }
0xaf: {  	[dreg:$0x0] =	wrdreg $0x60  }
0xb0: {  	[dreg:$0x2] =	wrdreg s2  }
0xb1: {  	[dreg:$0x3] =	wrdreg s19  }
0xb2: {  	[dreg:$0x4] =	wrdreg s4  }
0xb3: {  	[dreg:$0x5] =	wrdreg $0x9  }
0xb4: {  	_ =	task.clear_ibuf [dreg:s9], $0x6FFFF;
	_ =	strace $0x90000046  }
0xb5: {  	s29 =	simm.s32 $0x9;
	_ =	strace $0x80000048  }
0xb6: {  	_ =	swait.ge [sflag:s29], $0x1  }
0xb7: {  	[sflag:s29] =	ssyncadd.s32 $0xFFFFFFFF  }
0xb8: {  	_ =	strace $0x90000048  }
0xb9: {  	_ =	sfence  }
0xba: {  	s30 =	sld [smem:$0x0];
	_ =	sdelay $0x2  }
0xbb: {  	s31 =	sshll.u32 s1, $0xD;
	s1 =	sshrl.u32 s1, $0x2  }
0xbc: {  	s3 =	sand.u32 $0x4000, s31;
	s1 =	sadd.s32 s1, s30  }
0xbd: {  	s0 =	sor.u32 s3, s0;
	s1 =	sshll.u32 s1, $0x11  }
0xbe: {  	s0 =	sor.u32 s1, s0  }
0xbf: {  	s0 =	sadd.s32 $0x8F2B, s0  }
0xc0: {  	[sflag:s0] =	ssyncadd.remote.s32 $0x1  }
0xc1: {  	_ =	sfence.sel $0xFFFF  }
0xc2: {  	[dreg:$0x0] =	wrdreg $0xFFFFFFFF;
	(pc) =	sbr.abs _section_cstart, $3  }
0xc3: {  	[dreg:$0x1] =	wrdreg $0xFFFFFFFF  }
0xc4: {  	_ =	task.clear_ibuf [dreg:s9], $0x2FFFF;
	_ =	strace $0x9FFFFFFF  }
0xc5: {  	(tm) =	ssettm $0x7FFFFFFF  }
tec
execute0_lowered:
.L_overlay_start_1:
0x0: {  	(tag) =	ssettag $0x1  }
0x1: {  	s1 =	rddreg [dreg:$0x0]  }
0x2: {  	s3 =	rddreg [dreg:$0x1]  }
0x3: {  	s4 =	rddreg [dreg:$0x2];
	s5 =	srdreg.scid  }
0x4: {  	s0 =	rddreg [dreg:$0x3];
	s2 =	stileid.u32;
	s11 =	simm.s32 $0x80  }
0x5: {  	s12 =	simm.s32 $0x400;
	s13 =	simm.s32 $0x4000;
	s14 =	simm.s32 $0xA200  }
0x6: {  	s15 =	simm.s32 $0x10400;
	s16 =	simm.s32 $0x16600;
	s17 =	simm.s32 $0x5  }
0x7: {  	s18 =	simm.s32 $0x1;
	s19 =	simm.s32 $0x2;
	s20 =	simm.s32 $0x1C700  }
0x8: {  	s21 =	simm.s32 $0x1D700;
	s22 =	simm.s32 $0x3;
	s23 =	simm.s32 $0x4  }
0x9: {  	s24 =	simm.s32 $0x0;
	s6 =	sand.u32 $0x1, s5;
	s5 =	simm.s32 $0x0  }
0xa: {  	s8 =	sshll.u32 s2, $0x1;
	s7 =	ssub.s32 $0x2, s6;
	[smem:$0x7FF] =	sst s5  }
0xb: {  	s6 =	sor.u32 s6, s8;
	s8 =	sadd.s32 $0x2000, s4;
	s9 =	sshrl.u32 s7, $0x1  }
0xc: {  	_ =	strace $0x80000047;
	s6 =	smul.u32 $0x1A, s6;
	s10 =	ssub.s32 s7, s9  }
0xd: {  	s7 =	sadd.s32 $0x1000, s4;
	s9 =	sadd.s32 $0x3000, s4;
	s10 =	smax.u32 s10, $0x1  }
.LBB2_1:
0xe: {  	s25 =	simm.s32 $0x0  }
.LBB2_2:
0xf: {  	s29 =	sadd.s32 s6, s25  }
0x10: {  	s26 =	sshrl.u32 s29, $0x3  }
0x11: {  	s28 =	sshll.u32 s29, $0x7;
	s30 =	smul.u32 $0xC3800, s26  }
0x12: {  	s28 =	sand.u32 $0x380, s28  }
0x13: {  	s30 =	sor.u32 s28, s30  }
0x14: {  	s31 =	sshrl.u32 s30, $0x3  }
0x15: {  	s31 =	sadd.s32 s3, s31  }
0x16: {  	[tilespmem:s13], [sflag:$0x1] =	stream.strided.gather [hbm4b:s31+s11], $0x6200, s12, s11, $0x38;
	[tilespmem:$0x1E700] =	vst v63  }
0x17: {  	s31 =	sadd.s32 $0x31000, s30  }
0x18: {  	s31 =	sshrl.u32 s31, $0x3  }
0x19: {  	s31 =	sadd.s32 s3, s31  }
0x1a: {  	[tilespmem:s14], [sflag:$0x2] =	stream.strided.gather [hbm4b:s31+s11], $0x6200, s12, s11, $0x38;
	[tilespmem:$0x1E700] =	vst v63  }
0x1b: {  	s31 =	sadd.s32 $0x62000, s30  }
0x1c: {  	s30 =	sadd.s32 $0x93000, s30;
	s31 =	sshrl.u32 s31, $0x3  }
0x1d: {  	s30 =	sshrl.u32 s30, $0x3;
	s31 =	sadd.s32 s3, s31  }
0x1e: {  	[tilespmem:s15], [sflag:$0x1] =	stream.strided.gather [hbm4b:s31+s11], $0x6200, s12, s11, $0x38;
	[tilespmem:$0x1E700] =	vst v63  }
0x1f: {  	s30 =	sadd.s32 s3, s30  }
0x20: {  	[tilespmem:s16], [sflag:$0x2] =	stream.strided.gather [hbm4b:s30+s11], $0x6100, s12, s11, $0x38;
	[tilespmem:$0x1E700] =	vst v63  }
0x21: {  	p0 =	seq.s32 s25, $0x0;
	s30 =	sand.u32 $0x1F, s29  }
0x22: {  	p1 =	sne.s32 @!p0 s30, $0x0  }
0x23: {  	p1 =	por p0, !p1  }
0x24: {  	s30 =	sshll.u32 @p1 s29, $0x9;
	s29 =	sshll.u32 @p1 s29, $0x2  }
0x25: {  	s30 =	sand.u32 @p1 $0x7FFE0000, s30;
	s29 =	sand.u32 @p1 $0x380, s29  }
0x26: {  	s29 =	sor.u32 @p1 s29, s30  }
0x27: {  	s29 =	sshrl.u32 @p1 s29, $0x3  }
0x28: {  	s29 =	sadd.s32 @p1 s1, s29  }
0x29: {  	[tilespmem:s5], [sflag:$0x5] =	stream.strided.gather @p1 [hbm4b:s29+s11], $0x4000, s12, s11, $0x38;
	[tilespmem:$0x1E700] =	vst v63  }
0x2a: {  	_ =	swait.ge @p1 [sflag:s17], $0x4000  }
0x2b: {  	[sflag:s17] =	ssyncset.done @p1 $0x0  }
0x2c: {  	[sflag:s17] =	ssyncadd.s32 @p1 $0xFFFFC000  }
0x2d: {  	_ =	swait.ge [sflag:s18], $0x6200  }
0x2e: {  	[sflag:s18] =	ssyncset.done $0x0  }
0x2f: {  	[sflag:s18] =	ssyncadd.s32 $0xFFFF9E00  }
0x30: {  	_ =	swait.ge [sflag:s19], $0x6200  }
0x31: {  	[sflag:s19] =	ssyncset.done $0x0  }
0x32: {  	[sflag:s19] =	ssyncadd.s32 $0xFFFF9E00  }
0x33: {  	_ =	swait.ge [sflag:s18], $0x6200  }
0x34: {  	[sflag:s18] =	ssyncset.done $0x0  }
0x35: {  	[sflag:s18] =	ssyncadd.s32 $0xFFFF9E00  }
0x36: {  	_ =	swait.ge [sflag:s19], $0x6100  }
0x37: {  	[sflag:s19] =	ssyncset.done $0x0  }
0x38: {  	s29 =	simm.s32 @!p0 $0x3;
	[sflag:s19] =	ssyncadd.s32 $0xFFFF9F00  }
0x39: {  	_ =	swait.ge @!p0 [sflag:s29], $0x1000  }
0x3a: {  	[sflag:s29] =	ssyncset.done @!p0 $0x0  }
0x3b: {  	[sflag:s29] =	ssyncadd.s32 @!p0 $0xFFFFF000;
	s29 =	simm.s32 $0x40  }
0x3c: {  	v0 =	vld [tilespmem:s29+$0x30]  }
0x3d: {  	v1 =	vld [tilespmem:s29+$0xFFFFFFD0]  }
0x3e: {  	v2 =	vld [tilespmem:s29+$0xFFFFFFE0]  }
0x3f: {  	v3 =	vld [tilespmem:s29+$0xFFFFFFF0]  }
0x40: {  	v6 =	vld [tilespmem:s29+$0x0]  }
0x41: {  	v7 =	vld [tilespmem:s29+$0x10]  }
0x42: {  	v8 =	vld [tilespmem:s29+$0x20]  }
0x43: {  	v9 =	vld [tilespmem:s29+$0xFFFFFFC0]  }
0x44: {  	v10 =	vld.idx.msk [tilespmem:v0+s13+$0x0], $0xffff  }
0x45: {  	v11 =	vld.idx.msk [tilespmem:v1+s13+$0x0], $0xffff  }
0x46: {  	v5 =	vld.idx.msk [tilespmem:v2+s13+$0x0], $0xffff  }
0x47: {  	v4 =	vld.idx.msk [tilespmem:v3+s13+$0x0], $0xffff  }
0x48: {  	v3 =	vld.idx.msk [tilespmem:v6+s13+$0x0], $0xffff  }
0x49: {  	s29 =	simm.s32 $0x1C740;
	v1 =	vld.idx.msk [tilespmem:v7+s13+$0x0], $0xffff  }
0x4a: {  	v0 =	vld.idx.msk [tilespmem:v8+s13+$0x0], $0xffff;
	[tilespmem:s29+$0x30] =	vst v10  }
0x4b: {  	s31 =	simm.s32 $0xC0;
	s30 =	simm.s32 $0x0;
	v2 =	vld.idx.msk [tilespmem:v9+s13+$0x0], $0xffff;
	[tilespmem:s29+$0xFFFFFFD0] =	vst v11  }
.LBB2_3:
0x4c: {  	v6 =	vld [tilespmem:s31+$0x30];
	s30 =	sadd.s32 $0x80, s30;
	[tilespmem:s29+$0xFFFFFFE0] =	vst v5  }
0x4d: {  	v5 =	vld [tilespmem:s31+$0xFFFFFFD0];
	p1 =	slt.u32 s30, $0xF80;
	[tilespmem:s29+$0xFFFFFFF0] =	vst v4  }
0x4e: {  	v4 =	vld [tilespmem:s31+$0xFFFFFFE0];
	[tilespmem:s29+$0x0] =	vst v3  }
0x4f: {  	v3 =	vld [tilespmem:s31+$0xFFFFFFF0];
	[tilespmem:s29+$0x10] =	vst v1  }
0x50: {  	v1 =	vld [tilespmem:s31+$0x0];
	[tilespmem:s29+$0x20] =	vst v0  }
0x51: {  	v0 =	vld [tilespmem:s31+$0x10];
	[tilespmem:s29+$0xFFFFFFC0] =	vst v2  }
0x52: {  	v2 =	vld [tilespmem:s31+$0x20]  }
0x53: {  	v7 =	vld [tilespmem:s31+$0xFFFFFFC0]  }
0x54: {  	v6 =	vld.idx.msk [tilespmem:v6+s13+$0x0], $0xffff  }
0x55: {  	v8 =	vld.idx.msk [tilespmem:v5+s13+$0x0], $0xffff  }
0x56: {  	v5 =	vld.idx.msk [tilespmem:v4+s13+$0x0], $0xffff  }
.Ltmp0:
0x57: {  	v4 =	vld.idx.msk [tilespmem:v3+s13+$0x0], $0xffff;
	(pc) =	sbr.rel @p1 .LBB2_3-.Ltmp0, $4  }
0x58: {  	v3 =	vld.idx.msk [tilespmem:v1+s13+$0x0], $0xffff  }
0x59: {  	s29 =	sadd.s32 $0x80, s29;
	v1 =	vld.idx.msk [tilespmem:v0+s13+$0x0], $0xffff  }
0x5a: {  	v0 =	vld.idx.msk [tilespmem:v2+s13+$0x0], $0xffff;
	[tilespmem:s29+$0x30] =	vst v6  }
0x5b: {  	s31 =	sadd.s32 $0x80, s31;
	v2 =	vld.idx.msk [tilespmem:v7+s13+$0x0], $0xffff;
	[tilespmem:s29+$0xFFFFFFD0] =	vst v8  }
0x5c: {  	[tilespmem:s29+$0xFFFFFFE0] =	vst v5  }
0x5d: {  	[tilespmem:s29+$0xFFFFFFF0] =	vst v4  }
0x5e: {  	s26 =	sshll.u32 s26, $0x11;
	[tilespmem:s29+$0x0] =	vst v3  }
0x5f: {  	s26 =	sor.u32 s28, s26;
	[tilespmem:s29+$0x10] =	vst v1  }
0x60: {  	s26 =	sshrl.u32 s26, $0x3;
	[tilespmem:s29+$0x20] =	vst v0  }
0x61: {  	s28 =	sadd.s32 s4, s26;
	[tilespmem:s29+$0xFFFFFFC0] =	vst v2  }
0x62: {  	[hbm4b:s28+s11] =	stream.strided.scatter [tilespmem:s20], [sflag:$0x3], $0x1000, s12, s11, $0x38;
	[tilespmem:$0x1E700] =	vst v63  }
0x63: {  	s28 =	simm.s32 @!p0 $0x4  }
0x64: {  	_ =	swait.ge @!p0 [sflag:s28], $0x1000  }
0x65: {  	[sflag:s28] =	ssyncset.done @!p0 $0x0  }
0x66: {  	[sflag:s28] =	ssyncadd.s32 @!p0 $0xFFFFF000;
	s28 =	simm.s32 $0x1070  }
0x67: {  	v0 =	vld [tilespmem:s28+$0x0]  }
0x68: {  	v1 =	vld [tilespmem:s28+$0xFFFFFFA0]  }
0x69: {  	v2 =	vld [tilespmem:s28+$0xFFFFFFB0]  }
0x6a: {  	v3 =	vld [tilespmem:s28+$0xFFFFFFC0]  }
0x6b: {  	v4 =	vld [tilespmem:s28+$0xFFFFFFD0]  }
0x6c: {  	v6 =	vld [tilespmem:s28+$0xFFFFFFE0]  }
0x6d: {  	v7 =	vld [tilespmem:s28+$0xFFFFFFF0]  }
0x6e: {  	v8 =	vld [tilespmem:s28+$0xFFFFFF90]  }
0x6f: {  	v9 =	vld.idx.msk [tilespmem:v0+s13+$0x0], $0xffff  }
0x70: {  	v10 =	vld.idx.msk [tilespmem:v1+s13+$0x0], $0xffff  }
0x71: {  	v5 =	vld.idx.msk [tilespmem:v2+s13+$0x0], $0xffff  }
0x72: {  	v3 =	vld.idx.msk [tilespmem:v3+s13+$0x0], $0xffff  }
0x73: {  	v0 =	vld.idx.msk [tilespmem:v4+s13+$0x0], $0xffff  }
0x74: {  	s28 =	simm.s32 $0x1D740;
	v1 =	vld.idx.msk [tilespmem:v6+s13+$0x0], $0xffff  }
0x75: {  	v2 =	vld.idx.msk [tilespmem:v7+s13+$0x0], $0xffff;
	[tilespmem:s28+$0x30] =	vst v9  }
0x76: {  	s30 =	simm.s32 $0x10F0;
	s29 =	simm.s32 $0x0;
	v4 =	vld.idx.msk [tilespmem:v8+s13+$0x0], $0xffff;
	[tilespmem:s28+$0xFFFFFFD0] =	vst v10  }
.LBB2_5:
0x77: {  	v6 =	vld [tilespmem:s30+$0x0];
	s29 =	sadd.s32 $0x80, s29;
	[tilespmem:s28+$0xFFFFFFE0] =	vst v5  }
0x78: {  	v5 =	vld [tilespmem:s30+$0xFFFFFFA0];
	p0 =	slt.u32 s29, $0xF80;
	[tilespmem:s28+$0xFFFFFFF0] =	vst v3  }
0x79: {  	v3 =	vld [tilespmem:s30+$0xFFFFFFB0];
	[tilespmem:s28+$0x0] =	vst v0  }
0x7a: {  	v0 =	vld [tilespmem:s30+$0xFFFFFFC0];
	[tilespmem:s28+$0x10] =	vst v1  }
0x7b: {  	v1 =	vld [tilespmem:s30+$0xFFFFFFD0];
	[tilespmem:s28+$0x20] =	vst v2  }
0x7c: {  	v2 =	vld [tilespmem:s30+$0xFFFFFFE0];
	[tilespmem:s28+$0xFFFFFFC0] =	vst v4  }
0x7d: {  	v4 =	vld [tilespmem:s30+$0xFFFFFFF0]  }
0x7e: {  	v7 =	vld [tilespmem:s30+$0xFFFFFF90]  }
0x7f: {  	v6 =	vld.idx.msk [tilespmem:v6+s13+$0x0], $0xffff  }
0x80: {  	v8 =	vld.idx.msk [tilespmem:v5+s13+$0x0], $0xffff  }
0x81: {  	v5 =	vld.idx.msk [tilespmem:v3+s13+$0x0], $0xffff  }
.Ltmp1:
0x82: {  	v3 =	vld.idx.msk [tilespmem:v0+s13+$0x0], $0xffff;
	(pc) =	sbr.rel @p0 .LBB2_5-.Ltmp1, $4  }
0x83: {  	v0 =	vld.idx.msk [tilespmem:v1+s13+$0x0], $0xffff  }
0x84: {  	s28 =	sadd.s32 $0x80, s28;
	v1 =	vld.idx.msk [tilespmem:v2+s13+$0x0], $0xffff  }
0x85: {  	v2 =	vld.idx.msk [tilespmem:v4+s13+$0x0], $0xffff;
	[tilespmem:s28+$0x30] =	vst v6  }
0x86: {  	s30 =	sadd.s32 $0x80, s30;
	v4 =	vld.idx.msk [tilespmem:v7+s13+$0x0], $0xffff;
	[tilespmem:s28+$0xFFFFFFD0] =	vst v8  }
0x87: {  	[tilespmem:s28+$0xFFFFFFE0] =	vst v5  }
0x88: {  	[tilespmem:s28+$0xFFFFFFF0] =	vst v3  }
0x89: {  	[tilespmem:s28+$0x0] =	vst v0  }
0x8a: {  	[tilespmem:s28+$0x10] =	vst v1  }
0x8b: {  	[tilespmem:s28+$0x20] =	vst v2  }
0x8c: {  	[tilespmem:s28+$0xFFFFFFC0] =	vst v4;
	s28 =	sadd.s32 s26, s7  }
0x8d: {  	[hbm4b:s28+s11] =	stream.strided.scatter [tilespmem:s21], [sflag:$0x4], $0x1000, s12, s11, $0x38;
	[tilespmem:$0x1E700] =	vst v63  }
0x8e: {  	_ =	swait.ge [sflag:s22], $0x1000  }
0x8f: {  	[sflag:s22] =	ssyncset.done $0x0  }
0x90: {  	s28 =	simm.s32 $0x2070;
	[sflag:s22] =	ssyncadd.s32 $0xFFFFF000  }
0x91: {  	v0 =	vld [tilespmem:s28+$0x0]  }
0x92: {  	v1 =	vld [tilespmem:s28+$0xFFFFFFA0]  }
0x93: {  	v2 =	vld [tilespmem:s28+$0xFFFFFFB0]  }
0x94: {  	v3 =	vld [tilespmem:s28+$0xFFFFFFC0]  }
0x95: {  	v4 =	vld [tilespmem:s28+$0xFFFFFFD0]  }
0x96: {  	v6 =	vld [tilespmem:s28+$0xFFFFFFE0]  }
0x97: {  	v7 =	vld [tilespmem:s28+$0xFFFFFFF0]  }
0x98: {  	v8 =	vld [tilespmem:s28+$0xFFFFFF90]  }
0x99: {  	v9 =	vld.idx.msk [tilespmem:v0+s13+$0x0], $0xffff  }
0x9a: {  	v10 =	vld.idx.msk [tilespmem:v1+s13+$0x0], $0xffff  }
0x9b: {  	v5 =	vld.idx.msk [tilespmem:v2+s13+$0x0], $0xffff  }
0x9c: {  	v3 =	vld.idx.msk [tilespmem:v3+s13+$0x0], $0xffff  }
0x9d: {  	v0 =	vld.idx.msk [tilespmem:v4+s13+$0x0], $0xffff  }
0x9e: {  	s28 =	simm.s32 $0x1C740;
	v1 =	vld.idx.msk [tilespmem:v6+s13+$0x0], $0xffff  }
0x9f: {  	v2 =	vld.idx.msk [tilespmem:v7+s13+$0x0], $0xffff;
	[tilespmem:s28+$0x30] =	vst v9  }
0xa0: {  	s29 =	simm.s32 $0x0;
	s30 =	simm.s32 $0x20F0;
	v4 =	vld.idx.msk [tilespmem:v8+s13+$0x0], $0xffff;
	[tilespmem:s28+$0xFFFFFFD0] =	vst v10  }
.LBB2_7:
0xa1: {  	v6 =	vld [tilespmem:s30+$0x0];
	s29 =	sadd.s32 $0x80, s29;
	[tilespmem:s28+$0xFFFFFFE0] =	vst v5  }
0xa2: {  	v5 =	vld [tilespmem:s30+$0xFFFFFFA0];
	p0 =	slt.u32 s29, $0xF80;
	[tilespmem:s28+$0xFFFFFFF0] =	vst v3  }
0xa3: {  	v3 =	vld [tilespmem:s30+$0xFFFFFFB0];
	[tilespmem:s28+$0x0] =	vst v0  }
0xa4: {  	v0 =	vld [tilespmem:s30+$0xFFFFFFC0];
	[tilespmem:s28+$0x10] =	vst v1  }
0xa5: {  	v1 =	vld [tilespmem:s30+$0xFFFFFFD0];
	[tilespmem:s28+$0x20] =	vst v2  }
0xa6: {  	v2 =	vld [tilespmem:s30+$0xFFFFFFE0];
	[tilespmem:s28+$0xFFFFFFC0] =	vst v4  }
0xa7: {  	v4 =	vld [tilespmem:s30+$0xFFFFFFF0]  }
0xa8: {  	v7 =	vld [tilespmem:s30+$0xFFFFFF90]  }
0xa9: {  	v6 =	vld.idx.msk [tilespmem:v6+s13+$0x0], $0xffff  }
0xaa: {  	v8 =	vld.idx.msk [tilespmem:v5+s13+$0x0], $0xffff  }
0xab: {  	v5 =	vld.idx.msk [tilespmem:v3+s13+$0x0], $0xffff  }
.Ltmp2:
0xac: {  	v3 =	vld.idx.msk [tilespmem:v0+s13+$0x0], $0xffff;
	(pc) =	sbr.rel @p0 .LBB2_7-.Ltmp2, $4  }
0xad: {  	v0 =	vld.idx.msk [tilespmem:v1+s13+$0x0], $0xffff  }
0xae: {  	s28 =	sadd.s32 $0x80, s28;
	v1 =	vld.idx.msk [tilespmem:v2+s13+$0x0], $0xffff  }
0xaf: {  	v2 =	vld.idx.msk [tilespmem:v4+s13+$0x0], $0xffff;
	[tilespmem:s28+$0x30] =	vst v6  }
0xb0: {  	s30 =	sadd.s32 $0x80, s30;
	v4 =	vld.idx.msk [tilespmem:v7+s13+$0x0], $0xffff;
	[tilespmem:s28+$0xFFFFFFD0] =	vst v8  }
0xb1: {  	[tilespmem:s28+$0xFFFFFFE0] =	vst v5  }
0xb2: {  	[tilespmem:s28+$0xFFFFFFF0] =	vst v3  }
0xb3: {  	[tilespmem:s28+$0x0] =	vst v0  }
0xb4: {  	[tilespmem:s28+$0x10] =	vst v1  }
0xb5: {  	[tilespmem:s28+$0x20] =	vst v2  }
0xb6: {  	[tilespmem:s28+$0xFFFFFFC0] =	vst v4;
	s28 =	sadd.s32 s26, s8  }
0xb7: {  	[hbm4b:s28+s11] =	stream.strided.scatter [tilespmem:s20], [sflag:$0x3], $0x1000, s12, s11, $0x38;
	[tilespmem:$0x1E700] =	vst v63  }
0xb8: {  	_ =	swait.ge [sflag:s23], $0x1000  }
0xb9: {  	[sflag:s23] =	ssyncset.done $0x0  }
0xba: {  	s28 =	simm.s32 $0x3070;
	[sflag:s23] =	ssyncadd.s32 $0xFFFFF000  }
0xbb: {  	v0 =	vld [tilespmem:s28+$0x0]  }
0xbc: {  	v1 =	vld [tilespmem:s28+$0xFFFFFFA0]  }
0xbd: {  	v2 =	vld [tilespmem:s28+$0xFFFFFFB0]  }
0xbe: {  	v3 =	vld [tilespmem:s28+$0xFFFFFFC0]  }
0xbf: {  	v4 =	vld [tilespmem:s28+$0xFFFFFFD0]  }
0xc0: {  	v6 =	vld [tilespmem:s28+$0xFFFFFFE0]  }
0xc1: {  	v7 =	vld [tilespmem:s28+$0xFFFFFFF0]  }
0xc2: {  	v8 =	vld [tilespmem:s28+$0xFFFFFF90]  }
0xc3: {  	v9 =	vld.idx.msk [tilespmem:v0+s13+$0x0], $0xffff  }
0xc4: {  	v10 =	vld.idx.msk [tilespmem:v1+s13+$0x0], $0xffff  }
0xc5: {  	v5 =	vld.idx.msk [tilespmem:v2+s13+$0x0], $0xffff  }
0xc6: {  	v3 =	vld.idx.msk [tilespmem:v3+s13+$0x0], $0xffff  }
0xc7: {  	v0 =	vld.idx.msk [tilespmem:v4+s13+$0x0], $0xffff  }
0xc8: {  	s28 =	simm.s32 $0x1D740;
	v1 =	vld.idx.msk [tilespmem:v6+s13+$0x0], $0xffff  }
0xc9: {  	v2 =	vld.idx.msk [tilespmem:v7+s13+$0x0], $0xffff;
	[tilespmem:s28+$0x30] =	vst v9  }
0xca: {  	s29 =	simm.s32 $0x0;
	s30 =	simm.s32 $0x30F0;
	v4 =	vld.idx.msk [tilespmem:v8+s13+$0x0], $0xffff;
	[tilespmem:s28+$0xFFFFFFD0] =	vst v10  }
.LBB2_9:
0xcb: {  	v6 =	vld [tilespmem:s30+$0x0];
	s29 =	sadd.s32 $0x80, s29;
	[tilespmem:s28+$0xFFFFFFE0] =	vst v5  }
0xcc: {  	v5 =	vld [tilespmem:s30+$0xFFFFFFA0];
	p0 =	slt.u32 s29, $0xF80;
	[tilespmem:s28+$0xFFFFFFF0] =	vst v3  }
0xcd: {  	v3 =	vld [tilespmem:s30+$0xFFFFFFB0];
	[tilespmem:s28+$0x0] =	vst v0  }
0xce: {  	v0 =	vld [tilespmem:s30+$0xFFFFFFC0];
	[tilespmem:s28+$0x10] =	vst v1  }
0xcf: {  	v1 =	vld [tilespmem:s30+$0xFFFFFFD0];
	[tilespmem:s28+$0x20] =	vst v2  }
0xd0: {  	v2 =	vld [tilespmem:s30+$0xFFFFFFE0];
	[tilespmem:s28+$0xFFFFFFC0] =	vst v4  }
0xd1: {  	v4 =	vld [tilespmem:s30+$0xFFFFFFF0]  }
0xd2: {  	v7 =	vld [tilespmem:s30+$0xFFFFFF90]  }
0xd3: {  	v6 =	vld.idx.msk [tilespmem:v6+s13+$0x0], $0xffff  }
0xd4: {  	v8 =	vld.idx.msk [tilespmem:v5+s13+$0x0], $0xffff  }
0xd5: {  	v5 =	vld.idx.msk [tilespmem:v3+s13+$0x0], $0xffff  }
.Ltmp3:
0xd6: {  	v3 =	vld.idx.msk [tilespmem:v0+s13+$0x0], $0xffff;
	(pc) =	sbr.rel @p0 .LBB2_9-.Ltmp3, $4  }
0xd7: {  	v0 =	vld.idx.msk [tilespmem:v1+s13+$0x0], $0xffff  }
0xd8: {  	s28 =	sadd.s32 $0x80, s28;
	v1 =	vld.idx.msk [tilespmem:v2+s13+$0x0], $0xffff  }
0xd9: {  	v2 =	vld.idx.msk [tilespmem:v4+s13+$0x0], $0xffff;
	[tilespmem:s28+$0x30] =	vst v6  }
0xda: {  	s30 =	sadd.s32 $0x80, s30;
	v4 =	vld.idx.msk [tilespmem:v7+s13+$0x0], $0xffff;
	[tilespmem:s28+$0xFFFFFFD0] =	vst v8  }
0xdb: {  	[tilespmem:s28+$0xFFFFFFE0] =	vst v5;
	s25 =	sadd.s32 $0x1, s25  }
0xdc: {  	[tilespmem:s28+$0xFFFFFFF0] =	vst v3;
	p0 =	sne.s32 s25, $0x1A  }
.Ltmp4:
0xdd: {  	[tilespmem:s28+$0x0] =	vst v0;
	(pc) =	sbr.rel @p0 .LBB2_2-.Ltmp4, $4  }
0xde: {  	[tilespmem:s28+$0x10] =	vst v1  }
0xdf: {  	[tilespmem:s28+$0x20] =	vst v2  }
0xe0: {  	s26 =	sadd.s32 s26, s9;
	[tilespmem:s28+$0xFFFFFFC0] =	vst v4  }
0xe1: {  	[hbm4b:s26+s11] =	stream.strided.scatter [tilespmem:s21], [sflag:$0x4], $0x1000, s12, s11, $0x38;
	[tilespmem:$0x1E700] =	vst v63  }
0xe2: {  	s24 =	sadd.s32 $0x1, s24  }
0xe3: {  	_ =	swait.ge [sflag:s22], $0x1000;
	p0 =	sne.s32 s24, s10  }
.Ltmp5:
0xe4: {  	[sflag:s22] =	ssyncset.done $0x0;
	(pc) =	sbr.rel @p0 .LBB2_1-.Ltmp5, $4  }
0xe5: {  	[sflag:s22] =	ssyncadd.s32 $0xFFFFF000  }
0xe6: {  	_ =	swait.ge [sflag:s23], $0x1000  }
0xe7: {  	[sflag:s23] =	ssyncset.done $0x0  }
0xe8: {  	[sflag:s23] =	ssyncadd.s32 $0xFFFFF000  }
0xe9: {  	_ =	sfence.sel $0x180000  }
0xea: {  	[bflag:$0x0] =	sbarrier.arrive $0xFFFF  }
0xeb: {  	p0 =	sne.s32 s2, $0x0;
	_ =	strace $0x90000047  }
0xec: {  	s0 =	sadd.s32 @!p0 $0x100000, s0;
	[bflag:$0x2] =	sbarrier.arrive $0xFFFF  }
0xed: {  	[sflag:s0] =	ssyncadd.tile.s32 @!p0 $0x1;
	_ =	shalt  }
.Lfunc_end2:
_tile_overlayer_lowered:
.L_overlay_start_2:
0xee: {  	(tag) =	ssettag $0x2  }
0xef: {  	s0 =	rddreg [dreg:$0x0];
	s2 =	stileid.u32  }
0xf0: {  	s1 =	rddreg [dreg:$0x1];
	p0 =	sne.s32 s2, $0x0  }
0xf1: {  	s3 =	rddreg [dreg:$0x2];
	[bflag:$0x3] =	sbarrier.arrive $0xFFFF;
	s2 =	simm.s32 @!p0 $0x1C05  }
0xf2: {  	[timem:s3], [sflag:s2] =	dma.local @!p0 [hbm:s0], s1  }
0xf3: {  	s0 =	simm.s32 @!p0 $0x5  }
0xf4: {  	_ =	swait.ge @!p0 [sflag:s0], s1  }
0xf5: {  	s1 =	ssub.s32 @!p0 $0x0, s1;
	[sflag:s0] =	ssyncset.done @!p0 $0x0  }
0xf6: {  	[sflag:s0] =	ssyncadd.s32 @!p0 s1  }
0xf7: {  	[bflag:$0x3] =	sbarrier.arrive $0xFFFF  }
0xf8: {  	_ =	shalt  }

</sc_bundles>
